<compile_context>
chip_gen: v7x
topology: tpu7x:2x2x1
jax: 0.10.2.dev20260603
libtpu: 0.0.44.dev20260713+nightly
codegen_flags: <defaults>
</compile_context>

<pallas_src>
import functools

import jax
import jax.numpy as jnp
from jax import lax
from jax.experimental import pallas as pl
from jax.experimental.pallas import tpu as pltpu
from jax.experimental.pallas import tpu_sc as plsc

N = 16384
T = 200
K = 3
NC = 2
NS = 16
L = 16
NW = NC * NS
RPW = N // NW
G = 2
SGR = G * L
SG = RPW // SGR


def _build():
    mesh = plsc.VectorSubcoreMesh(core_axis_name="c", subcore_axis_name="s")

    @functools.partial(
        pl.kernel,
        out_type=jax.ShapeDtypeStruct((N * T * K,), jnp.float32),
        mesh=mesh,
        compiler_params=pltpu.CompilerParams(needs_layout_passes=False),
        scratch_types=[
            pltpu.VMEM((SGR * T,), jnp.int32),
            pltpu.VMEM((SGR * T,), jnp.int32),
            pltpu.VMEM((SGR * T,), jnp.float32),
            pltpu.VMEM((SGR * T * K,), jnp.float32),
            pltpu.VMEM((8, L), jnp.float32),
        ],
    )
    def rw_kernel(choice_hbm, cfu_hbm, reward_hbm, params_hbm, out_hbm,
                  ch_v, cfu_v, rew_v, out_v, par_v):
        wid = lax.axis_index("s") * NC + lax.axis_index("c")

        pltpu.sync_copy(params_hbm, par_v)
        ap = par_v[0]
        am = par_v[1]
        init_v = par_v[2]
        bi = par_v[3]
        bs = par_v[4]
        bt = par_v[5]

        lane = lax.iota(jnp.int32, L)
        ibase = [lane * T + (g * L * T) for g in range(G)]
        obase = [lane * (T * K) + (g * L * T * K) for g in range(G)]
        one_i = jnp.full((L,), 1, jnp.int32)
        two_i = jnp.full((L,), 2, jnp.int32)
        three_i = jnp.full((L,), 3, jnp.int32)
        zero_i = jnp.zeros((L,), jnp.int32)
        zero_f = jnp.zeros((L,), jnp.float32)
        one_f = jnp.full((L,), 1.0, jnp.float32)

        def super_group(sg, acc):
            row0 = wid * RPW + sg * SGR
            pltpu.sync_copy(choice_hbm.at[pl.ds(row0 * T, SGR * T)], ch_v)
            pltpu.sync_copy(cfu_hbm.at[pl.ds(row0 * T, SGR * T)], cfu_v)
            pltpu.sync_copy(reward_hbm.at[pl.ds(row0 * T, SGR * T)], rew_v)

            def step(t, carry):
                tvec, ovec = carry[0], carry[1]
                st = list(carry[2:])
                new_st = []
                for g in range(G):
                    v0, v1, v2, c0, c1, c2, s0, s1, s2 = st[g * 9:(g + 1) * 9]
                    ig = ibase[g] + tvec
                    og = obase[g] + ovec
                    plsc.store_scatter(out_v, [og],
                                       v0 * bt + (c0 * bi + s0))
                    plsc.store_scatter(out_v, [og + one_i],
                                       v1 * bt + (c1 * bi + s1))
                    plsc.store_scatter(out_v, [og + two_i],
                                       v2 * bt + (c2 * bi + s2))
                    ch = plsc.load_gather(ch_v, [ig])
                    h0 = ch == zero_i
                    h1 = ch == one_i
                    h2 = ch == two_i
                    s0 = jnp.where(h0, bs, zero_f)
                    s1 = jnp.where(h1, bs, zero_f)
                    s2 = jnp.where(h2, bs, zero_f)
                    c0 = c0 + jnp.where(h0, one_f, zero_f)
                    c1 = c1 + jnp.where(h1, one_f, zero_f)
                    c2 = c2 + jnp.where(h2, one_f, zero_f)
                    c = plsc.load_gather(cfu_v, [ig])
                    r = plsc.load_gather(rew_v, [ig])
                    m0 = c == zero_i
                    m1 = c == one_i
                    m2 = c == two_i
                    chosen = jnp.where(m0, v0, jnp.where(m1, v1, v2))
                    pe = r - chosen
                    pe = jnp.where(r != r, zero_f, pe)
                    coef = jnp.where(pe >= zero_f, ap, am)
                    upd = chosen + coef * pe
                    v0 = jnp.where(m0, upd, v0)
                    v1 = jnp.where(m1, upd, v1)
                    v2 = jnp.where(m2, upd, v2)
                    new_st += [v0, v1, v2, c0, c1, c2, s0, s1, s2]
                return tuple([tvec + one_i, ovec + three_i] + new_st)

            init = [zero_i, zero_i]
            for g in range(G):
                init += [init_v, init_v, init_v,
                         zero_f, zero_f, zero_f,
                         zero_f, zero_f, zero_f]
            lax.fori_loop(0, T, step, tuple(init), unroll=False)

            pltpu.sync_copy(out_v, out_hbm.at[pl.ds(row0 * T * K, SGR * T * K)])
            return acc

        lax.fori_loop(0, SG, super_group, 0, unroll=False)

    return rw_kernel


def kernel(choice, choice_for_updating, reward, alpha_plus, alpha_minus,
           initial_values, beta_info, beta_stick, beta_temp):
    ap = jax.nn.sigmoid(alpha_plus)
    am = jax.nn.sigmoid(alpha_minus)
    init_v = 100.0 * jnp.tanh(initial_values)
    params = jnp.stack([ap, am, init_v, beta_info, beta_stick, beta_temp,
                        jnp.float32(0.0), jnp.float32(0.0)])
    params = jnp.broadcast_to(params[:, None], (8, L)).astype(jnp.float32)
    fn = _build()
    out = fn(choice.reshape(-1), choice_for_updating.reshape(-1),
             reward.reshape(-1), params)
    return out.reshape(N, T, K)

# --- scband reference (transcript-rebuilt; emitter-appended) ---
"""Pipeline reference for scband-rescorla-wagner-model-7670811590768 (READ-ONLY COPY).

The authoritative reference and input builder live on the scoring server;
editing this copy changes nothing except your own understanding.
"""

import jax, jax.numpy as jnp
import numpy as np


def setup_inputs(seed: int = 0) -> dict:
    key = jax.random.key(seed)
    ks = jax.random.split(key, 9)
    N, T, K = 16384, 200, 3
    choice = jax.random.randint(ks[0], (N, T), 0, 3)
    choice_for_updating = jax.random.randint(ks[1], (N, T), 0, 3)
    reward = jax.random.normal(ks[2], (N, T), dtype=jnp.float32)
    alpha_plus = 0.01 * jax.random.normal(ks[3], (), dtype=jnp.float32)
    alpha_minus = 0.01 * jax.random.normal(ks[4], (), dtype=jnp.float32)
    initial_values = 0.01 * jax.random.normal(ks[5], (), dtype=jnp.float32)
    beta_info = 0.01 * jax.random.normal(ks[6], (), dtype=jnp.float32)
    beta_stick = 0.01 * jax.random.normal(ks[7], (), dtype=jnp.float32)
    beta_temp = 0.01 * jax.random.normal(ks[8], (), dtype=jnp.float32)
    return {
        "choice": choice,
        "choice_for_updating": choice_for_updating,
        "reward": reward,
        "alpha_plus": alpha_plus,
        "alpha_minus": alpha_minus,
        "initial_values": initial_values,
        "beta_info": beta_info,
        "beta_stick": beta_stick,
        "beta_temp": beta_temp,
    }


def reference(choice, choice_for_updating, reward, alpha_plus, alpha_minus,
              initial_values, beta_info, beta_stick, beta_temp):
    N, T = choice.shape
    K = 3
    max_initial_values = 100.0
    init_v = max_initial_values * jnp.tanh(initial_values)
    ap = jax.nn.sigmoid(alpha_plus)
    am = jax.nn.sigmoid(alpha_minus)

    v0 = jnp.ones((N, K), dtype=jnp.float32) * init_v
    rows = jnp.arange(N)

    def step(v, inp):
        c, r = inp  # c: (N,), r: (N,)
        chosen = v[rows, c]
        pe = r - chosen
        pe = jnp.where(jnp.isnan(r), 0.0, pe)
        upd = chosen + ap * pe * (pe >= 0).astype(jnp.float32) + am * pe * (pe < 0).astype(jnp.float32)
        new_v = v.at[rows, c].set(upd)
        return new_v, new_v

    xs = (jnp.transpose(choice_for_updating[:, :-1]), jnp.transpose(reward[:, :-1]))
    _, vs = jax.lax.scan(step, v0, xs)
    values = jnp.transpose(jnp.concatenate([v0[None, :, :], vs], axis=0), (1, 0, 2))  # (N, T, K)

    onehot = jax.nn.one_hot(choice[:, :-1], K, dtype=jnp.float32)  # (N, T-1, K)
    zeros0 = jnp.zeros((N, 1, K), dtype=jnp.float32)
    information_logits = jnp.concatenate([zeros0, jnp.cumsum(onehot, axis=1)], axis=1) * beta_info
    stickiness_logits = jnp.concatenate([zeros0, onehot], axis=1) * beta_stick
    value_logits = values * beta_temp
    return value_logits + stickiness_logits + information_logits

if __name__ == "__main__":
    import jax
    _d = setup_inputs()
    print(jax.jit(kernel)(*tuple(_d.values())))

</pallas_src>

<mosaic_0001>
#map = affine_map<(d0, d1) -> (0)>
#map1 = affine_map<(d0, d1) -> (0, 0)>
module attributes {stable_mosaic.version = 14 : i64} {
  func.func @rw_kernel(%arg0: i32, %arg1: i32, %arg2: memref<3276800xi32, #tpu.memory_space<hbm>>, %arg3: memref<3276800xi32, #tpu.memory_space<hbm>>, %arg4: memref<3276800xf32, #tpu.memory_space<hbm>>, %arg5: memref<8x16xf32, #tpu.memory_space<hbm>>, %arg6: memref<9830400xf32, #tpu.memory_space<hbm>>, %arg7: memref<6400xi32, #tpu.memory_space<vmem>>, %arg8: memref<6400xi32, #tpu.memory_space<vmem>>, %arg9: memref<6400xf32, #tpu.memory_space<vmem>>, %arg10: memref<19200xf32, #tpu.memory_space<vmem>>, %arg11: memref<8x16xf32, #tpu.memory_space<vmem>>) attributes {dimension_semantics = [#tpu.dimension_semantics<core_parallel>, #tpu.dimension_semantics<subcore_parallel>], iteration_bounds = array<i64: 2, 16>, scalar_prefetch = 0 : i64, scratch_operands = 5 : i64, tpu.core_type = #tpu.core_type<sc_vector_subcore>, window_params = [{transform_indices = #map}, {transform_indices = #map}, {transform_indices = #map}, {transform_indices = #map1}, {transform_indices = #map}]} {
    %mul3A = arith.constant 2 : i32
    %mul3A_0 = arith.muli %arg1, %mul3A : i32
    %add3A = arith.addi %mul3A_0, %arg0 : i32
    "tpu.region"() ({
      %run_scoped3A = tpu.sem_alloc : memref<!tpu.dma_semaphore, #tpu.memory_space<semaphore_mem>>
      tpu.enqueue_dma source(%arg5 : memref<8x16xf32, #tpu.memory_space<hbm>>) target(%arg11 : memref<8x16xf32, #tpu.memory_space<vmem>>) target_semaphore(%run_scoped3A : memref<!tpu.dma_semaphore, #tpu.memory_space<semaphore_mem>>)
      tpu.wait_dma2 semaphore(%run_scoped3A : memref<!tpu.dma_semaphore, #tpu.memory_space<semaphore_mem>>) src(%arg5 : memref<8x16xf32, #tpu.memory_space<hbm>>) dst(%arg11 : memref<8x16xf32, #tpu.memory_space<vmem>>)
      tpu.yield
    }) : () -> ()
    %get3A = arith.constant 0 : i32
    %get3A_1 = arith.index_cast %get3A : i32 to index
    %get3A_2 = arith.constant 0 : index
    %get3A_3 = tpu.vector_load %arg11[%get3A_1, %get3A_2] {strides = array<i32>} : memref<8x16xf32, #tpu.memory_space<vmem>>, vector<16xf32>,
    %get3A_4 = arith.constant 1 : i32
    %get3A_5 = arith.index_cast %get3A_4 : i32 to index
    %get3A_6 = arith.constant 0 : index
    %get3A_7 = tpu.vector_load %arg11[%get3A_5, %get3A_6] {strides = array<i32>} : memref<8x16xf32, #tpu.memory_space<vmem>>, vector<16xf32>,
    %get3A_8 = arith.constant 2 : i32
    %get3A_9 = arith.index_cast %get3A_8 : i32 to index
    %get3A_10 = arith.constant 0 : index
    %get3A_11 = tpu.vector_load %arg11[%get3A_9, %get3A_10] {strides = array<i32>} : memref<8x16xf32, #tpu.memory_space<vmem>>, vector<16xf32>,
    %get3A_12 = arith.constant 3 : i32
    %get3A_13 = arith.index_cast %get3A_12 : i32 to index
    %get3A_14 = arith.constant 0 : index
    %get3A_15 = tpu.vector_load %arg11[%get3A_13, %get3A_14] {strides = array<i32>} : memref<8x16xf32, #tpu.memory_space<vmem>>, vector<16xf32>,
    %get3A_16 = arith.constant 4 : i32
    %get3A_17 = arith.index_cast %get3A_16 : i32 to index
    %get3A_18 = arith.constant 0 : index
    %get3A_19 = tpu.vector_load %arg11[%get3A_17, %get3A_18] {strides = array<i32>} : memref<8x16xf32, #tpu.memory_space<vmem>>, vector<16xf32>,
    %get3A_20 = arith.constant 5 : i32
    %get3A_21 = arith.index_cast %get3A_20 : i32 to index
    %get3A_22 = arith.constant 0 : index
    %get3A_23 = tpu.vector_load %arg11[%get3A_21, %get3A_22] {strides = array<i32>} : memref<8x16xf32, #tpu.memory_space<vmem>>, vector<16xf32>,
    %iota3A = tpu.iota {dimensions = array<i32: 0>} : vector<16xi32>
    %mul3A_24 = arith.constant 200 : i32
    %mul3A_25 = vector.broadcast %mul3A_24 : i32 to vector<16xi32>
    %mul3A_26 = arith.muli %iota3A, %mul3A_25 : vector<16xi32>
    %add3A_27 = arith.constant 0 : i32
    %add3A_28 = vector.broadcast %add3A_27 : i32 to vector<16xi32>
    %add3A_29 = arith.addi %mul3A_26, %add3A_28 : vector<16xi32>
    %mul3A_30 = arith.constant 200 : i32
    %mul3A_31 = vector.broadcast %mul3A_30 : i32 to vector<16xi32>
    %mul3A_32 = arith.muli %iota3A, %mul3A_31 : vector<16xi32>
    %add3A_33 = arith.constant 3200 : i32
    %add3A_34 = vector.broadcast %add3A_33 : i32 to vector<16xi32>
    %add3A_35 = arith.addi %mul3A_32, %add3A_34 : vector<16xi32>
    %mul3A_36 = arith.constant 600 : i32
    %mul3A_37 = vector.broadcast %mul3A_36 : i32 to vector<16xi32>
    %mul3A_38 = arith.muli %iota3A, %mul3A_37 : vector<16xi32>
    %add3A_39 = arith.constant 0 : i32
    %add3A_40 = vector.broadcast %add3A_39 : i32 to vector<16xi32>
    %add3A_41 = arith.addi %mul3A_38, %add3A_40 : vector<16xi32>
    %mul3A_42 = arith.constant 600 : i32
    %mul3A_43 = vector.broadcast %mul3A_42 : i32 to vector<16xi32>
    %mul3A_44 = arith.muli %iota3A, %mul3A_43 : vector<16xi32>
    %add3A_45 = arith.constant 9600 : i32
    %add3A_46 = vector.broadcast %add3A_45 : i32 to vector<16xi32>
    %add3A_47 = arith.addi %mul3A_44, %add3A_46 : vector<16xi32>
    %broadcast_in_dim3A = arith.constant 1 : i32
    %broadcast_in_dim3A_48 = vector.broadcast %broadcast_in_dim3A : i32 to vector<16xi32>
    %broadcast_in_dim3A_49 = arith.constant 2 : i32
    %broadcast_in_dim3A_50 = vector.broadcast %broadcast_in_dim3A_49 : i32 to vector<16xi32>
    %broadcast_in_dim3A_51 = arith.constant 3 : i32
    %broadcast_in_dim3A_52 = vector.broadcast %broadcast_in_dim3A_51 : i32 to vector<16xi32>
    %broadcast_in_dim3A_53 = arith.constant 0 : i32
    %broadcast_in_dim3A_54 = vector.broadcast %broadcast_in_dim3A_53 : i32 to vector<16xi32>
    %broadcast_in_dim3A_55 = arith.constant 0.000000e+00 : f32
    %broadcast_in_dim3A_56 = vector.broadcast %broadcast_in_dim3A_55 : f32 to vector<16xf32>
    %broadcast_in_dim3A_57 = arith.constant 1.000000e+00 : f32
    %broadcast_in_dim3A_58 = vector.broadcast %broadcast_in_dim3A_57 : f32 to vector<16xf32>
    %scan3A = arith.constant 0 : i32
    %scan3A_59 = arith.constant 0 : i32
    %scan3A_60 = arith.constant 16 : i32
    %scan3A_61 = arith.addi %scan3A_59, %scan3A_60 : i32
    %scan3A_62 = arith.constant 1 : i32
    scf.for %scan3A_64 = %scan3A_59 to %scan3A_61 step %scan3A_62  : i32 {
      %mul3A_65 = arith.constant 512 : i32
      %mul3A_66 = arith.muli %add3A, %mul3A_65 : i32
      %mul3A_67 = arith.constant 32 : i32
      %mul3A_68 = arith.muli %scan3A_64, %mul3A_67 : i32
      %add3A_69 = arith.addi %mul3A_66, %mul3A_68 : i32
      %mul3A_70 = arith.constant 200 : i32
      %mul3A_71 = arith.muli %add3A_69, %mul3A_70 : i32
      "tpu.region"() ({
        %run_scoped3A = tpu.sem_alloc : memref<!tpu.dma_semaphore, #tpu.memory_space<semaphore_mem>>
        %dma_start3A = tpu.memref_slice %arg2[%mul3A_71] : memref<3276800xi32, #tpu.memory_space<hbm>> -> memref<6400xi32, #tpu.memory_space<hbm>>
        %dma_start3A_86 = tpu.memref_slice %arg2[%mul3A_71] : memref<3276800xi32, #tpu.memory_space<hbm>> -> memref<6400xi32, #tpu.memory_space<hbm>>
        tpu.enqueue_dma source(%dma_start3A_86 : memref<6400xi32, #tpu.memory_space<hbm>>) target(%arg7 : memref<6400xi32, #tpu.memory_space<vmem>>) target_semaphore(%run_scoped3A : memref<!tpu.dma_semaphore, #tpu.memory_space<semaphore_mem>>)
        %dma_wait3A = tpu.memref_slice %arg2[%mul3A_71] : memref<3276800xi32, #tpu.memory_space<hbm>> -> memref<6400xi32, #tpu.memory_space<hbm>>
        %dma_wait3A_87 = tpu.memref_slice %arg2[%mul3A_71] : memref<3276800xi32, #tpu.memory_space<hbm>> -> memref<6400xi32, #tpu.memory_space<hbm>>
        tpu.wait_dma2 semaphore(%run_scoped3A : memref<!tpu.dma_semaphore, #tpu.memory_space<semaphore_mem>>) src(%dma_wait3A_87 : memref<6400xi32, #tpu.memory_space<hbm>>) dst(%arg7 : memref<6400xi32, #tpu.memory_space<vmem>>)
        tpu.yield
      }) : () -> ()
      %mul3A_72 = arith.constant 200 : i32
      %mul3A_73 = arith.muli %add3A_69, %mul3A_72 : i32
      "tpu.region"() ({
        %run_scoped3A = tpu.sem_alloc : memref<!tpu.dma_semaphore, #tpu.memory_space<semaphore_mem>>
        %dma_start3A = tpu.memref_slice %arg3[%mul3A_73] : memref<3276800xi32, #tpu.memory_space<hbm>> -> memref<6400xi32, #tpu.memory_space<hbm>>
        %dma_start3A_86 = tpu.memref_slice %arg3[%mul3A_73] : memref<3276800xi32, #tpu.memory_space<hbm>> -> memref<6400xi32, #tpu.memory_space<hbm>>
        tpu.enqueue_dma source(%dma_start3A_86 : memref<6400xi32, #tpu.memory_space<hbm>>) target(%arg8 : memref<6400xi32, #tpu.memory_space<vmem>>) target_semaphore(%run_scoped3A : memref<!tpu.dma_semaphore, #tpu.memory_space<semaphore_mem>>)
        %dma_wait3A = tpu.memref_slice %arg3[%mul3A_73] : memref<3276800xi32, #tpu.memory_space<hbm>> -> memref<6400xi32, #tpu.memory_space<hbm>>
        %dma_wait3A_87 = tpu.memref_slice %arg3[%mul3A_73] : memref<3276800xi32, #tpu.memory_space<hbm>> -> memref<6400xi32, #tpu.memory_space<hbm>>
        tpu.wait_dma2 semaphore(%run_scoped3A : memref<!tpu.dma_semaphore, #tpu.memory_space<semaphore_mem>>) src(%dma_wait3A_87 : memref<6400xi32, #tpu.memory_space<hbm>>) dst(%arg8 : memref<6400xi32, #tpu.memory_space<vmem>>)
        tpu.yield
      }) : () -> ()
      %mul3A_74 = arith.constant 200 : i32
      %mul3A_75 = arith.muli %add3A_69, %mul3A_74 : i32
      "tpu.region"() ({
        %run_scoped3A = tpu.sem_alloc : memref<!tpu.dma_semaphore, #tpu.memory_space<semaphore_mem>>
        %dma_start3A = tpu.memref_slice %arg4[%mul3A_75] : memref<3276800xf32, #tpu.memory_space<hbm>> -> memref<6400xf32, #tpu.memory_space<hbm>>
        %dma_start3A_86 = tpu.memref_slice %arg4[%mul3A_75] : memref<3276800xf32, #tpu.memory_space<hbm>> -> memref<6400xf32, #tpu.memory_space<hbm>>
        tpu.enqueue_dma source(%dma_start3A_86 : memref<6400xf32, #tpu.memory_space<hbm>>) target(%arg9 : memref<6400xf32, #tpu.memory_space<vmem>>) target_semaphore(%run_scoped3A : memref<!tpu.dma_semaphore, #tpu.memory_space<semaphore_mem>>)
        %dma_wait3A = tpu.memref_slice %arg4[%mul3A_75] : memref<3276800xf32, #tpu.memory_space<hbm>> -> memref<6400xf32, #tpu.memory_space<hbm>>
        %dma_wait3A_87 = tpu.memref_slice %arg4[%mul3A_75] : memref<3276800xf32, #tpu.memory_space<hbm>> -> memref<6400xf32, #tpu.memory_space<hbm>>
        tpu.wait_dma2 semaphore(%run_scoped3A : memref<!tpu.dma_semaphore, #tpu.memory_space<semaphore_mem>>) src(%dma_wait3A_87 : memref<6400xf32, #tpu.memory_space<hbm>>) dst(%arg9 : memref<6400xf32, #tpu.memory_space<vmem>>)
        tpu.yield
      }) : () -> ()
      %scan3A_76 = arith.constant 0 : i32
      %scan3A_77 = arith.constant 200 : i32
      %scan3A_78 = arith.addi %scan3A_76, %scan3A_77 : i32
      %scan3A_79 = arith.constant 1 : i32
      %scan3A_80:20 = scf.for %scan3A_86 = %scan3A_76 to %scan3A_78 step %scan3A_79 iter_args(%scan3A_87 = %broadcast_in_dim3A_54, %scan3A_88 = %broadcast_in_dim3A_54, %scan3A_89 = %get3A_11, %scan3A_90 = %get3A_11, %scan3A_91 = %get3A_11, %scan3A_92 = %broadcast_in_dim3A_56, %scan3A_93 = %broadcast_in_dim3A_56, %scan3A_94 = %broadcast_in_dim3A_56, %scan3A_95 = %broadcast_in_dim3A_56, %scan3A_96 = %broadcast_in_dim3A_56, %scan3A_97 = %broadcast_in_dim3A_56, %scan3A_98 = %get3A_11, %scan3A_99 = %get3A_11, %scan3A_100 = %get3A_11, %scan3A_101 = %broadcast_in_dim3A_56, %scan3A_102 = %broadcast_in_dim3A_56, %scan3A_103 = %broadcast_in_dim3A_56, %scan3A_104 = %broadcast_in_dim3A_56, %scan3A_105 = %broadcast_in_dim3A_56, %scan3A_106 = %broadcast_in_dim3A_56) -> (vector<16xi32>, vector<16xi32>, vector<16xf32>, vector<16xf32>, vector<16xf32>, vector<16xf32>, vector<16xf32>, vector<16xf32>, vector<16xf32>, vector<16xf32>, vector<16xf32>, vector<16xf32>, vector<16xf32>, vector<16xf32>, vector<16xf32>, vector<16xf32>, vector<16xf32>, vector<16xf32>, vector<16xf32>, vector<16xf32>)  : i32 {
        %add3A_107 = arith.addi %add3A_29, %scan3A_87 : vector<16xi32>
        %add3A_108 = arith.addi %add3A_41, %scan3A_88 : vector<16xi32>
        %mul3A_109 = arith.mulf %scan3A_89, %get3A_23 : vector<16xf32>
        %mul3A_110 = arith.mulf %scan3A_92, %get3A_15 : vector<16xf32>
        %add3A_111 = arith.addf %mul3A_110, %scan3A_95 : vector<16xf32>
        %add3A_112 = arith.addf %mul3A_109, %add3A_111 : vector<16xf32>
        tpu.vector_store_idx %arg10[%add3A_108], %add3A_112 : memref<19200xf32, #tpu.memory_space<vmem>>[vector<16xi32>], vector<16xf32>,
        %add3A_113 = arith.addi %add3A_108, %broadcast_in_dim3A_48 : vector<16xi32>
        %mul3A_114 = arith.mulf %scan3A_90, %get3A_23 : vector<16xf32>
        %mul3A_115 = arith.mulf %scan3A_93, %get3A_15 : vector<16xf32>
        %add3A_116 = arith.addf %mul3A_115, %scan3A_96 : vector<16xf32>
        %add3A_117 = arith.addf %mul3A_114, %add3A_116 : vector<16xf32>
        tpu.vector_store_idx %arg10[%add3A_113], %add3A_117 : memref<19200xf32, #tpu.memory_space<vmem>>[vector<16xi32>], vector<16xf32>,
        %add3A_118 = arith.addi %add3A_108, %broadcast_in_dim3A_50 : vector<16xi32>
        %mul3A_119 = arith.mulf %scan3A_91, %get3A_23 : vector<16xf32>
        %mul3A_120 = arith.mulf %scan3A_94, %get3A_15 : vector<16xf32>
        %add3A_121 = arith.addf %mul3A_120, %scan3A_97 : vector<16xf32>
        %add3A_122 = arith.addf %mul3A_119, %add3A_121 : vector<16xf32>
        tpu.vector_store_idx %arg10[%add3A_118], %add3A_122 : memref<19200xf32, #tpu.memory_space<vmem>>[vector<16xi32>], vector<16xf32>,
        %gather3A = tpu.vector_load_idx %arg7[%add3A_107] : memref<6400xi32, #tpu.memory_space<vmem>>[vector<16xi32>], vector<16xi32>,
        %eq3A = arith.cmpi eq, %gather3A, %broadcast_in_dim3A_54 : vector<16xi32>
        %eq3A_123 = arith.cmpi eq, %gather3A, %broadcast_in_dim3A_48 : vector<16xi32>
        %eq3A_124 = arith.cmpi eq, %gather3A, %broadcast_in_dim3A_50 : vector<16xi32>
        %select_n3A = arith.select %eq3A, %get3A_19, %broadcast_in_dim3A_56 : vector<16xi1>, vector<16xf32>
        %select_n3A_125 = arith.select %eq3A_123, %get3A_19, %broadcast_in_dim3A_56 : vector<16xi1>, vector<16xf32>
        %select_n3A_126 = arith.select %eq3A_124, %get3A_19, %broadcast_in_dim3A_56 : vector<16xi1>, vector<16xf32>
        %select_n3A_127 = arith.select %eq3A, %broadcast_in_dim3A_58, %broadcast_in_dim3A_56 : vector<16xi1>, vector<16xf32>
        %add3A_128 = arith.addf %scan3A_92, %select_n3A_127 : vector<16xf32>
        %select_n3A_129 = arith.select %eq3A_123, %broadcast_in_dim3A_58, %broadcast_in_dim3A_56 : vector<16xi1>, vector<16xf32>
        %add3A_130 = arith.addf %scan3A_93, %select_n3A_129 : vector<16xf32>
        %select_n3A_131 = arith.select %eq3A_124, %broadcast_in_dim3A_58, %broadcast_in_dim3A_56 : vector<16xi1>, vector<16xf32>
        %add3A_132 = arith.addf %scan3A_94, %select_n3A_131 : vector<16xf32>
        %gather3A_133 = tpu.vector_load_idx %arg8[%add3A_107] : memref<6400xi32, #tpu.memory_space<vmem>>[vector<16xi32>], vector<16xi32>,
        %gather3A_134 = tpu.vector_load_idx %arg9[%add3A_107] : memref<6400xf32, #tpu.memory_space<vmem>>[vector<16xi32>], vector<16xf32>,
        %eq3A_135 = arith.cmpi eq, %gather3A_133, %broadcast_in_dim3A_54 : vector<16xi32>
        %eq3A_136 = arith.cmpi eq, %gather3A_133, %broadcast_in_dim3A_48 : vector<16xi32>
        %eq3A_137 = arith.cmpi eq, %gather3A_133, %broadcast_in_dim3A_50 : vector<16xi32>
        %select_n3A_138 = arith.select %eq3A_136, %scan3A_90, %scan3A_91 : vector<16xi1>, vector<16xf32>
        %select_n3A_139 = arith.select %eq3A_135, %scan3A_89, %select_n3A_138 : vector<16xi1>, vector<16xf32>
        %sub3A = arith.subf %gather3A_134, %select_n3A_139 : vector<16xf32>
        %ne3A = arith.cmpf one, %gather3A_134, %gather3A_134 : vector<16xf32>
        %select_n3A_140 = arith.select %ne3A, %broadcast_in_dim3A_56, %sub3A : vector<16xi1>, vector<16xf32>
        %ge3A = arith.cmpf oge, %select_n3A_140, %broadcast_in_dim3A_56 : vector<16xf32>
        %select_n3A_141 = arith.select %ge3A, %get3A_3, %get3A_7 : vector<16xi1>, vector<16xf32>
        %mul3A_142 = arith.mulf %select_n3A_141, %select_n3A_140 : vector<16xf32>
        %add3A_143 = arith.addf %select_n3A_139, %mul3A_142 : vector<16xf32>
        %select_n3A_144 = arith.select %eq3A_135, %add3A_143, %scan3A_89 : vector<16xi1>, vector<16xf32>
        %select_n3A_145 = arith.select %eq3A_136, %add3A_143, %scan3A_90 : vector<16xi1>, vector<16xf32>
        %select_n3A_146 = arith.select %eq3A_137, %add3A_143, %scan3A_91 : vector<16xi1>, vector<16xf32>
        %add3A_147 = arith.addi %add3A_35, %scan3A_87 : vector<16xi32>
        %add3A_148 = arith.addi %add3A_47, %scan3A_88 : vector<16xi32>
        %mul3A_149 = arith.mulf %scan3A_98, %get3A_23 : vector<16xf32>
        %mul3A_150 = arith.mulf %scan3A_101, %get3A_15 : vector<16xf32>
        %add3A_151 = arith.addf %mul3A_150, %scan3A_104 : vector<16xf32>
        %add3A_152 = arith.addf %mul3A_149, %add3A_151 : vector<16xf32>
        tpu.vector_store_idx %arg10[%add3A_148], %add3A_152 : memref<19200xf32, #tpu.memory_space<vmem>>[vector<16xi32>], vector<16xf32>,
        %add3A_153 = arith.addi %add3A_148, %broadcast_in_dim3A_48 : vector<16xi32>
        %mul3A_154 = arith.mulf %scan3A_99, %get3A_23 : vector<16xf32>
        %mul3A_155 = arith.mulf %scan3A_102, %get3A_15 : vector<16xf32>
        %add3A_156 = arith.addf %mul3A_155, %scan3A_105 : vector<16xf32>
        %add3A_157 = arith.addf %mul3A_154, %add3A_156 : vector<16xf32>
        tpu.vector_store_idx %arg10[%add3A_153], %add3A_157 : memref<19200xf32, #tpu.memory_space<vmem>>[vector<16xi32>], vector<16xf32>,
        %add3A_158 = arith.addi %add3A_148, %broadcast_in_dim3A_50 : vector<16xi32>
        %mul3A_159 = arith.mulf %scan3A_100, %get3A_23 : vector<16xf32>
        %mul3A_160 = arith.mulf %scan3A_103, %get3A_15 : vector<16xf32>
        %add3A_161 = arith.addf %mul3A_160, %scan3A_106 : vector<16xf32>
        %add3A_162 = arith.addf %mul3A_159, %add3A_161 : vector<16xf32>
        tpu.vector_store_idx %arg10[%add3A_158], %add3A_162 : memref<19200xf32, #tpu.memory_space<vmem>>[vector<16xi32>], vector<16xf32>,
        %gather3A_163 = tpu.vector_load_idx %arg7[%add3A_147] : memref<6400xi32, #tpu.memory_space<vmem>>[vector<16xi32>], vector<16xi32>,
        %eq3A_164 = arith.cmpi eq, %gather3A_163, %broadcast_in_dim3A_54 : vector<16xi32>
        %eq3A_165 = arith.cmpi eq, %gather3A_163, %broadcast_in_dim3A_48 : vector<16xi32>
        %eq3A_166 = arith.cmpi eq, %gather3A_163, %broadcast_in_dim3A_50 : vector<16xi32>
        %select_n3A_167 = arith.select %eq3A_164, %get3A_19, %broadcast_in_dim3A_56 : vector<16xi1>, vector<16xf32>
        %select_n3A_168 = arith.select %eq3A_165, %get3A_19, %broadcast_in_dim3A_56 : vector<16xi1>, vector<16xf32>
        %select_n3A_169 = arith.select %eq3A_166, %get3A_19, %broadcast_in_dim3A_56 : vector<16xi1>, vector<16xf32>
        %select_n3A_170 = arith.select %eq3A_164, %broadcast_in_dim3A_58, %broadcast_in_dim3A_56 : vector<16xi1>, vector<16xf32>
        %add3A_171 = arith.addf %scan3A_101, %select_n3A_170 : vector<16xf32>
        %select_n3A_172 = arith.select %eq3A_165, %broadcast_in_dim3A_58, %broadcast_in_dim3A_56 : vector<16xi1>, vector<16xf32>
        %add3A_173 = arith.addf %scan3A_102, %select_n3A_172 : vector<16xf32>
        %select_n3A_174 = arith.select %eq3A_166, %broadcast_in_dim3A_58, %broadcast_in_dim3A_56 : vector<16xi1>, vector<16xf32>
        %add3A_175 = arith.addf %scan3A_103, %select_n3A_174 : vector<16xf32>
        %gather3A_176 = tpu.vector_load_idx %arg8[%add3A_147] : memref<6400xi32, #tpu.memory_space<vmem>>[vector<16xi32>], vector<16xi32>,
        %gather3A_177 = tpu.vector_load_idx %arg9[%add3A_147] : memref<6400xf32, #tpu.memory_space<vmem>>[vector<16xi32>], vector<16xf32>,
        %eq3A_178 = arith.cmpi eq, %gather3A_176, %broadcast_in_dim3A_54 : vector<16xi32>
        %eq3A_179 = arith.cmpi eq, %gather3A_176, %broadcast_in_dim3A_48 : vector<16xi32>
        %eq3A_180 = arith.cmpi eq, %gather3A_176, %broadcast_in_dim3A_50 : vector<16xi32>
        %select_n3A_181 = arith.select %eq3A_179, %scan3A_99, %scan3A_100 : vector<16xi1>, vector<16xf32>
        %select_n3A_182 = arith.select %eq3A_178, %scan3A_98, %select_n3A_181 : vector<16xi1>, vector<16xf32>
        %sub3A_183 = arith.subf %gather3A_177, %select_n3A_182 : vector<16xf32>
        %ne3A_184 = arith.cmpf one, %gather3A_177, %gather3A_177 : vector<16xf32>
        %select_n3A_185 = arith.select %ne3A_184, %broadcast_in_dim3A_56, %sub3A_183 : vector<16xi1>, vector<16xf32>
        %ge3A_186 = arith.cmpf oge, %select_n3A_185, %broadcast_in_dim3A_56 : vector<16xf32>
        %select_n3A_187 = arith.select %ge3A_186, %get3A_3, %get3A_7 : vector<16xi1>, vector<16xf32>
        %mul3A_188 = arith.mulf %select_n3A_187, %select_n3A_185 : vector<16xf32>
        %add3A_189 = arith.addf %select_n3A_182, %mul3A_188 : vector<16xf32>
        %select_n3A_190 = arith.select %eq3A_178, %add3A_189, %scan3A_98 : vector<16xi1>, vector<16xf32>
        %select_n3A_191 = arith.select %eq3A_179, %add3A_189, %scan3A_99 : vector<16xi1>, vector<16xf32>
        %select_n3A_192 = arith.select %eq3A_180, %add3A_189, %scan3A_100 : vector<16xi1>, vector<16xf32>
        %add3A_193 = arith.addi %scan3A_87, %broadcast_in_dim3A_48 : vector<16xi32>
        %add3A_194 = arith.addi %scan3A_88, %broadcast_in_dim3A_52 : vector<16xi32>
        scf.yield %add3A_193, %add3A_194, %select_n3A_144, %select_n3A_145, %select_n3A_146, %add3A_128, %add3A_130, %add3A_132, %select_n3A, %select_n3A_125, %select_n3A_126, %select_n3A_190, %select_n3A_191, %select_n3A_192, %add3A_171, %add3A_173, %add3A_175, %select_n3A_167, %select_n3A_168, %select_n3A_169 : vector<16xi32>, vector<16xi32>, vector<16xf32>, vector<16xf32>, vector<16xf32>, vector<16xf32>, vector<16xf32>, vector<16xf32>, vector<16xf32>, vector<16xf32>, vector<16xf32>, vector<16xf32>, vector<16xf32>, vector<16xf32>, vector<16xf32>, vector<16xf32>, vector<16xf32>, vector<16xf32>, vector<16xf32>, vector<16xf32>
      }
      %scan3A_81 = arith.constant 200 : i32
      %mul3A_82 = arith.constant 200 : i32
      %mul3A_83 = arith.muli %add3A_69, %mul3A_82 : i32
      %mul3A_84 = arith.constant 3 : i32
      %mul3A_85 = arith.muli %mul3A_83, %mul3A_84 : i32
      "tpu.region"() ({
        %run_scoped3A = tpu.sem_alloc : memref<!tpu.dma_semaphore, #tpu.memory_space<semaphore_mem>>
        %dma_start3A = tpu.memref_slice %arg6[%mul3A_85] : memref<9830400xf32, #tpu.memory_space<hbm>> -> memref<19200xf32, #tpu.memory_space<hbm>>
        %dma_start3A_86 = tpu.memref_slice %arg6[%mul3A_85] : memref<9830400xf32, #tpu.memory_space<hbm>> -> memref<19200xf32, #tpu.memory_space<hbm>>
        tpu.enqueue_dma source(%arg10 : memref<19200xf32, #tpu.memory_space<vmem>>) target(%dma_start3A_86 : memref<19200xf32, #tpu.memory_space<hbm>>) target_semaphore(%run_scoped3A : memref<!tpu.dma_semaphore, #tpu.memory_space<semaphore_mem>>)
        %dma_wait3A = tpu.memref_slice %arg6[%mul3A_85] : memref<9830400xf32, #tpu.memory_space<hbm>> -> memref<19200xf32, #tpu.memory_space<hbm>>
        %dma_wait3A_87 = tpu.memref_slice %arg6[%mul3A_85] : memref<9830400xf32, #tpu.memory_space<hbm>> -> memref<19200xf32, #tpu.memory_space<hbm>>
        tpu.wait_dma2 semaphore(%run_scoped3A : memref<!tpu.dma_semaphore, #tpu.memory_space<semaphore_mem>>) src(%arg10 : memref<19200xf32, #tpu.memory_space<vmem>>) dst(%dma_wait3A_87 : memref<19200xf32, #tpu.memory_space<hbm>>)
        tpu.yield
      }) : () -> ()
    }
    %scan3A_63 = arith.constant 16 : i32
    return
  }
}

</mosaic_0001>

<sc_bundles>
// kernel: kernel.3.cloned.1.call-start
scs
__scs_entry_jumppad:
0x0: {  	(pc) =	sbr.rel $0x88, $3  }
0x1: {  	(tag) =	ssettag $0x0;
	lr =	simm.s32 $0x1  }
0x2: {  	[smem:$0x3F98] =	sst lr;
	_ =	strace $0xD0000000  }
0x3: {  	_ = 	snop  }
0x4: {  	_ = 	snop  }
0x5: {  	_ = 	snop  }
0x6: {  	_ = 	snop  }
0x7: {  	_ = 	snop  }
__scs_overlays_trampoline_lowered:
0x8: {  	[smem:$0x3FA7] =	sst s0  }
0x9: {  	[smem:$0x3FA8] =	sst s1  }
0xa: {  	[smem:$0x3FA9] =	sst s2  }
0xb: {  	[smem:$0x3FAA] =	sst s3  }
0xc: {  	[smem:$0x3FAB] =	sst s4  }
0xd: {  	[smem:$0x3FAC] =	sst s5  }
0xe: {  	[smem:$0x3FAD] =	sst s6  }
0xf: {  	[smem:$0x3FAE] =	sst s7  }
0x10: {  	[smem:$0x3FAF] =	sst s8  }
0x11: {  	[smem:$0x3FB0] =	sst s9;
	s0 =	simm.s32 @!p0 $0x0  }
0x12: {  	s1 =	sld [smem:$0x3F96];
	s0 =	simm.s32 @p0 $0x1  }
0x13: {  	[smem:$0x3FB1] =	sst s0;
	s0 =	simm.s32 @!p1 $0x0  }
0x14: {  	s2 =	sld [smem:$0x3F95];
	s0 =	simm.s32 @p1 $0x1  }
0x15: {  	[smem:$0x3FB2] =	sst s0;
	s0 =	simm.s32 @!p2 $0x0  }
0x16: {  	s3 =	sld [smem:$0x3FDB];
	s0 =	simm.s32 @p2 $0x1  }
0x17: {  	s4 =	simm.s32 $0x1BF5;
	[smem:$0x3FB4] =	sst s0  }
0x18: {  	s0 =	sld [smem:$0x3F97];
	_ =	swait.ge [sflag:s4], $0x0  }
0x19: {  	s7 =	sld [smem:$0x3F98]  }
0x1a: {  	s8 =	sadd.s32 $0xFFFFE003, lr  }
0x1b: {  	s9 =	sadd.s32 $0xFFFFFEF7, lr;
	s5 =	simm.s32 $0xFFFFFFFF;
	p2 =	slt.u32 s8, $0xFFFFF086  }
0x1c: {  	p1 =	slt.u32 s9, $0xF7A;
	s5 =	simm.s32 @!p2 $0x0  }
0x1d: {  	s5 =	simm.s32 @p1 $0x1;
	p0 =	seq.s32 s7, s2  }
0x1e: {  	s7 =	smul.u32 @!p0 $0xF7A, s2;
	p2 =	seq.s32 @!p0 s5, $0x0  }
0x1f: {  	s9 =	smul.u32 $0xF7A, s1;
	s8 =	simm.s32 @!p0 $0x1BF5;
	p2 =	por !p2, p0  }
0x20: {  	[sflag:s8] =	ssyncset.s32 @!p0 $0xFFFFF086;
	s6 =	sadd.s32 @!p0 s3, s7;
	s7 =	simm.s32 @!p0 $0x108  }
0x21: {  	s3 =	sadd.s32 s3, s9;
	s6 =	sadd.s32 @!p0 $0x88, s6;
	s7 =	simm.s32 @p2 $0x1082  }
0x22: {  	[simem:s7], [sflag:s8] =	dma.local @!p0 [hbm:s6], $0xF7A  }
0x23: {  	s9 =	sor.u32 $0xD0000000, s2;
	s6 =	simm.s32 $0x108;
	_ =	swait.ge @!p0 [sflag:s8], $0x0  }
0x24: {  	s3 =	sadd.s32 $0x88, s3;
	s6 =	simm.s32 @!p1 $0x1082;
	[sflag:s4] =	ssyncset.s32 $0xFFFFF086  }
0x25: {  	[simem:s6], [sflag:s4] =	dma.local [hbm:s3], $0xF7A  }
0x26: {  	[smem:$0x3F98] =	sst s1;
	(tag) =	ssettag s2;
	_ =	strace s9  }
0x27: {  	s1 =	sld [smem:$0x3FA8]  }
0x28: {  	s2 =	sld [smem:$0x3FA9]  }
0x29: {  	s4 =	sld [smem:$0x3FAB]  }
0x2a: {  	p0 =	seq.s32 s5, $0x0;
	s5 =	sld [smem:$0x3FAC]  }
0x2b: {  	s6 =	sld [smem:$0x3FAD]  }
0x2c: {  	s7 =	sld [smem:$0x3FAE]  }
0x2d: {  	s3 =	simm.s32 $0x108;
	s8 =	sld [smem:$0x3FAF]  }
0x2e: {  	s3 =	simm.s32 @!p0 $0x1082;
	s9 =	sld [smem:$0x3FB0]  }
0x2f: {  	lr =	sadd.s32 s0, s3;
	s0 =	sld [smem:$0x3FA7]  }
0x30: {  	s3 =	sld [smem:$0x3FAA]  }
0x31: {  	[smem:$0x3FB3] =	sst s10  }
0x32: {  	s10 =	sld [smem:$0x3FB1];
	_ =	sdelay $0x3  }
0x33: {  	p0 =	seq.s32 s10, $0x1;
	s10 =	sld [smem:$0x3FB3];
	_ =	sdelay $0x3  }
0x34: {  	[smem:$0x3FB3] =	sst s10  }
0x35: {  	s10 =	sld [smem:$0x3FB2];
	_ =	sdelay $0x3  }
0x36: {  	p1 =	seq.s32 s10, $0x1;
	s10 =	sld [smem:$0x3FB3];
	_ =	sdelay $0x3  }
0x37: {  	[smem:$0x3FB3] =	sst s10  }
0x38: {  	s10 =	sld [smem:$0x3FB4]  }
0x39: {  	_ = 	snop;
	(pc) =	sbr.ind lr, $3  }
0x3a: {  	_ = 	snop  }
0x3b: {  	_ = 	snop  }
0x3c: {  	p2 =	seq.s32 s10, $0x1;
	s10 =	sld [smem:$0x3FB3]  }
0x3d: {  	_ =	shalt  }
0x3e: {  	_ =	shalt  }
0x3f: {  	_ =	shalt  }
0x40: {  	_ =	shalt  }
0x41: {  	_ =	shalt  }
0x42: {  	_ =	shalt  }
0x43: {  	_ =	shalt  }
0x44: {  	_ =	shalt  }
0x45: {  	_ =	shalt  }
0x46: {  	_ =	shalt  }
0x47: {  	_ =	shalt  }
0x48: {  	_ =	shalt  }
0x49: {  	_ =	shalt  }
0x4a: {  	_ =	shalt  }
0x4b: {  	_ =	shalt  }
0x4c: {  	_ =	shalt  }
0x4d: {  	_ =	shalt  }
0x4e: {  	_ =	shalt  }
0x4f: {  	_ =	shalt  }
0x50: {  	_ =	shalt  }
0x51: {  	_ =	shalt  }
0x52: {  	_ =	shalt  }
0x53: {  	_ =	shalt  }
0x54: {  	_ =	shalt  }
0x55: {  	_ =	shalt  }
0x56: {  	_ =	shalt  }
0x57: {  	_ =	shalt  }
0x58: {  	_ =	shalt  }
0x59: {  	_ =	shalt  }
0x5a: {  	_ =	shalt  }
0x5b: {  	_ =	shalt  }
0x5c: {  	_ =	shalt  }
0x5d: {  	_ =	shalt  }
0x5e: {  	_ =	shalt  }
0x5f: {  	_ =	shalt  }
0x60: {  	_ =	shalt  }
0x61: {  	_ =	shalt  }
0x62: {  	_ =	shalt  }
0x63: {  	_ =	shalt  }
0x64: {  	_ =	shalt  }
0x65: {  	_ =	shalt  }
0x66: {  	_ =	shalt  }
0x67: {  	_ =	shalt  }
0x68: {  	_ =	shalt  }
0x69: {  	_ =	shalt  }
0x6a: {  	_ =	shalt  }
0x6b: {  	_ =	shalt  }
0x6c: {  	_ =	shalt  }
0x6d: {  	_ =	shalt  }
0x6e: {  	_ =	shalt  }
0x6f: {  	_ =	shalt  }
0x70: {  	_ =	shalt  }
0x71: {  	_ =	shalt  }
0x72: {  	_ =	shalt  }
0x73: {  	_ =	shalt  }
0x74: {  	_ =	shalt  }
0x75: {  	_ =	shalt  }
0x76: {  	_ =	shalt  }
0x77: {  	_ =	shalt  }
0x78: {  	_ =	shalt  }
0x79: {  	_ =	shalt  }
0x7a: {  	_ =	shalt  }
0x7b: {  	_ =	shalt  }
0x7c: {  	_ =	shalt  }
0x7d: {  	_ =	shalt  }
0x7e: {  	_ =	shalt  }
0x7f: {  	_ =	shalt  }
0x80: {  	_ =	shalt  }
0x81: {  	_ =	shalt  }
0x82: {  	_ =	shalt  }
0x83: {  	_ =	shalt  }
0x84: {  	_ =	shalt  }
0x85: {  	_ =	shalt  }
0x86: {  	_ =	shalt  }
0x87: {  	_ =	shalt  }
.Lfunc_end0:
.L_simem_size_0:
called_computation.1_lowered:
.L_overlay_start_0:
0x88: {  	s2 =	sld [smem:$0x3FD9]  }
0x89: {  	s3 =	sld [smem:$0x3FFE];
	_ =	sdelay $0x1  }
0x8a: {  	s1 =	srdreg.scid  }
0x8b: {  	s0 =	sand.u32 $0x1, s1  }
0x8c: {  	s17 =	sshll.u32 s0, $0xA;
	s2 =	sadd.s32 s3, s2  }
0x8d: {  	s2 =	sadd.s32 s2, s17  }
0x8e: {  	[smem:$0x3FBF] =	sst s2  }
0x8f: {  	_ = 	snop  }
0x90: {  	s2 =	sld [smem:$0x3FD0];
	(tm) =	ssettm $0x1  }
0x91: {  	s18 =	sld [smem:$0x3FFB];
	_ =	sdelay $0x3  }
0x92: {  	_ =	strace s18  }
0x93: {  	s3 =	sld [smem:$0x3FFC];
	_ =	sdelay $0x3  }
0x94: {  	_ =	strace s3  }
0x95: {  	s3 =	sld [smem:$0x3FFD];
	_ =	sdelay $0x3  }
0x96: {  	_ =	strace s3  }
0x97: {  	_ =	strace $0x8FFFFFFF  }
0x98: {  	s19 =	sld [smem:$0x3FDB];
	_ =	sdelay $0x1  }
0x99: {  	s4 =	simm.s32 $_scs_section_size  }
0x9a: {  	s5 =	simm.s32 $_size__tile_overlayer_lowered;
	s6 =	simm.s32 $_tile_overlayer_lowered  }
0x9b: {  	s22 =	simm.s32 $0x1BFF;
	s21 =	sshll.u32 s6, $0x1;
	s3 =	sadd.s32 s4, s19  }
0x9c: {  	s7 =	simm.s32 $0x0;
	s20 =	sshll.u32 s5, $0x1;
	s5 =	sadd.s32 s21, s3  }
0x9d: {  	[timem:s7], [sflag:s22] =	dma.local [hbm:s5], s20  }
0x9e: {  	_ =	swait.ge [sflag:s22], s20  }
0x9f: {  	s4 =	ssub.s32 $0x0, s20;
	[sflag:s22] =	ssyncset.done $0x0  }
0xa0: {  	[sflag:s22] =	ssyncadd.s32 s4;
	_ =	sdelay $0x1  }
0xa1: {  	s23 =	simm.s32 $0x1B8B  }
0xa2: {  	_ =	swait.ge [sflag:s23], $0x1  }
0xa3: {  	[sflag:s23] =	ssyncset.done $0x0  }
0xa4: {  	s25 =	simm.s32 $0x1B8E;
	s24 =	sld [smem:$0x3FFE];
	[sflag:s23] =	ssyncadd.s32 $0xFFFFFFFF  }
0xa5: {  	s26 =	simm.s32 $execute0_lowered;
	[smem:$0x3FD2] =	sst s25  }
0xa6: {  	s5 =	sshll.u32 s26, $0x1;
	_ =	strace $0x80000046;
	[dreg:$0x1] =	wrdreg $0xFFFFFFFF  }
0xa7: {  	s28 =	simm.s32 $_size_execute0_lowered;
	s3 =	sadd.s32 s3, s5;
	[dreg:$0x0] =	wrdreg $0x0  }
0xa8: {  	s5 =	sshll.u32 s28, $0x1;
	[dreg:$0x2] =	wrdreg s3  }
0xa9: {  	[dreg:$0x3] =	wrdreg s5  }
0xaa: {  	[dreg:$0x4] =	wrdreg $0xC0  }
0xab: {  	_ =	task [dreg:s7], $0x5FFFF  }
0xac: {  	[dreg:$0x1] =	wrdreg $0xFFFFFFFF  }
0xad: {  	[dreg:$0x0] =	wrdreg $0x60  }
0xae: {  	[dreg:$0x2] =	wrdreg s24  }
0xaf: {  	[dreg:$0x3] =	wrdreg s2  }
0xb0: {  	[dreg:$0x4] =	wrdreg $0x9  }
0xb1: {  	_ =	task.clear_ibuf [dreg:s7], $0x5FFFF;
	_ =	strace $0x90000046  }
0xb2: {  	s29 =	simm.s32 $0x9;
	_ =	strace $0x80000048  }
0xb3: {  	_ =	swait.ge [sflag:s29], $0x1  }
0xb4: {  	[sflag:s29] =	ssyncadd.s32 $0xFFFFFFFF  }
0xb5: {  	_ =	strace $0x90000048  }
0xb6: {  	_ =	sfence  }
0xb7: {  	s30 =	sld [smem:$0x0];
	_ =	sdelay $0x2  }
0xb8: {  	s31 =	sshll.u32 s1, $0xD;
	s1 =	sshrl.u32 s1, $0x2  }
0xb9: {  	s3 =	sand.u32 $0x4000, s31;
	s1 =	sadd.s32 s1, s30  }
0xba: {  	s0 =	sor.u32 s3, s0;
	s1 =	sshll.u32 s1, $0x11  }
0xbb: {  	s0 =	sor.u32 s1, s0  }
0xbc: {  	s0 =	sadd.s32 $0x8F2B, s0  }
0xbd: {  	[sflag:s0] =	ssyncadd.remote.s32 $0x1  }
0xbe: {  	_ =	sfence.sel $0xFFFF  }
0xbf: {  	[dreg:$0x0] =	wrdreg $0xFFFFFFFF;
	(pc) =	sbr.abs _section_cstart, $3  }
0xc0: {  	[dreg:$0x1] =	wrdreg $0xFFFFFFFF  }
0xc1: {  	_ =	task.clear_ibuf [dreg:s7], $0x2FFFF;
	_ =	strace $0x9FFFFFFF  }
0xc2: {  	(tm) =	ssettm $0x7FFFFFFF  }
0xc3: {  	_ =	shalt  }
tec
execute0_lowered:
.L_overlay_start_1:
0x0: {  	(tag) =	ssettag $0x1  }
0x1: {  	s7 =	rddreg [dreg:$0x0]  }
0x2: {  	s1 =	rddreg [dreg:$0x1]  }
0x3: {  	s0 =	rddreg [dreg:$0x2];
	s2 =	simm.s32 $0x0;
	s3 =	srdreg.scid  }
0x4: {  	s4 =	stileid.u32;
	s11 =	simm.s32 $0x1;
	s12 =	simm.s32 $0x1900  }
0x5: {  	s13 =	simm.s32 $0x3200;
	s14 =	simm.s32 $0x4B00;
	s15 =	simm.s32 $0x0  }
0x6: {  	v1 =	vlaneseq.u32;
	[smem:$0x7FF] =	sst s2;
	s8 =	sand.u32 $0x1, s3;
	s3 =	sadd.s32 $0x2000, s7  }
0x7: {  	s5 =	sadd.s32 $0x66000, s7;
	s6 =	sadd.s32 $0xCA000, s7;
	v0 =	vmul.u32 $0x258, v1;
	v1 =	vmul.u32 $0xC8, v1;
	s9 =	ssub.s32 $0x2, s8  }
0x8: {  	v4 =	vimm.f32 $0.0e+00;
	s31 =	sshll.u32 s4, $0xA;
	s7 =	sadd.s32 $0x1800, s7;
	s10 =	sshrl.u32 s9, $0x1  }
0x9: {  	_ =	strace $0x80000047;
	s8 =	sshll.u32 s8, $0x9;
	v2 =	vor.u32 $0x1, v0;
	v3 =	vor.u32 $0x2, v0;
	v5 =	vadd.s32 $0xC80, v1;
	s9 =	ssub.s32 s9, s10  }
0xa: {  	s8 =	sor.u32 s8, s31;
	v6 =	vadd.s32 $0x2580, v0;
	v7 =	vadd.s32 $0x2581, v0;
	v8 =	vadd.s32 $0x2582, v0;
	s10 =	simm.s32 $0x9600;
	s9 =	smax.u32 s9, $0x1  }
.LBB2_1:
0xb: {  	[tilespmem:s10], [sflag:$0x1] =	stream.linear.gather [hbm4b:s7+s2], $0x400, $0x38;
	[tilespmem:$0x9A00] =	vst v63  }
0xc: {  	_ =	swait.ge [sflag:s11], $0x400  }
0xd: {  	[sflag:s11] =	ssyncset.done $0x0  }
0xe: {  	[sflag:s11] =	ssyncadd.s32 $0xFFFFFC00  }
0xf: {  	v9 =	vld [tilespmem:$0x9600]  }
0x10: {  	v13 =	vld [tilespmem:$0x9800]  }
0x11: {  	v14 =	vld [tilespmem:$0x9880]  }
0x12: {  	v10 =	vld [tilespmem:$0x9680]  }
0x13: {  	v12 =	vld [tilespmem:$0x9780]  }
0x14: {  	s16 =	simm.s32 $0x0;
	v11 =	vld [tilespmem:$0x9700]  }
.LBB2_2:
0x15: {  	s17 =	sshll.u32 s16, $0x5  }
0x16: {  	s17 =	sadd.s32 s8, s17  }
0x17: {  	s18 =	smul.u32 $0x19, s17;
	_ =	sdelay $0x1  }
0x18: {  	s19 =	sadd.s32 s3, s18  }
0x19: {  	[tilespmem:s2], [sflag:$0x1] =	stream.linear.gather [hbm4b:s19+s2], $0x1900, $0x38;
	[tilespmem:$0x9A00] =	vst v63  }
0x1a: {  	_ =	swait.ge [sflag:s11], $0x1900  }
0x1b: {  	[sflag:s11] =	ssyncset.done $0x0  }
0x1c: {  	s31 =	sadd.s32 s5, s18;
	[sflag:s11] =	ssyncadd.s32 $0xFFFFE700  }
0x1d: {  	[tilespmem:s12], [sflag:$0x1] =	stream.linear.gather [hbm4b:s31+s2], $0x1900, $0x38;
	[tilespmem:$0x9A00] =	vst v63  }
0x1e: {  	v16 =	vimm.f32 $0.0e+00;
	_ =	swait.ge [sflag:s11], $0x1900  }
0x1f: {  	v15 =	vimm.s32 $0x0;
	v17 =	vmul.f32 v16, v12;
	[sflag:s11] =	ssyncset.done $0x0  }
0x20: {  	v18 =	vadd.s32 v0, v15;
	s18 =	sadd.s32 s6, s18;
	[sflag:s11] =	ssyncadd.s32 $0xFFFFE700  }
0x21: {  	v19 =	vadd.s32 v2, v15;
	v20 =	vmul.f32 v11, v14;
	v17 =	vadd.f32 v16, v17;
	[tilespmem:s13], [sflag:$0x1] =	stream.linear.gather [hbm4b:s18+s2], $0x1900, $0x38;
	[tilespmem:$0x9A00] =	vst v63  }
0x22: {  	v21 =	vadd.s32 v3, v15;
	_ =	swait.ge [sflag:s11], $0x1900  }
0x23: {  	v22 =	vadd.s32 v1, v15;
	v20 =	vadd.f32 v17, v20;
	[sflag:s11] =	ssyncset.done $0x0  }
0x24: {  	[sflag:s11] =	ssyncadd.s32 $0xFFFFE700  }
0x25: {  	[tilespmem:v18+s14+$0x0] =	vst.idx.msk $0xffff, v20  }
0x26: {  	[tilespmem:v19+s14+$0x0] =	vst.idx.msk $0xffff, v20  }
0x27: {  	[tilespmem:v21+s14+$0x0] =	vst.idx.msk $0xffff, v20  }
0x28: {  	v21 =	vadd.s32 v6, v15;
	v24 =	vld.idx.msk [tilespmem:v22+s12+$0x0], $0xffff  }
0x29: {  	v26 =	vadd.s32 v7, v15;
	v25 =	vld.idx.msk [tilespmem:v22+s2+$0x0], $0xffff  }
0x2a: {  	v27 =	vadd.s32 v8, v15;
	v18 =	vadd.s32 $0x3, v15  }
0x2b: {  	v28 =	vadd.s32 v5, v15;
	v17 =	vadd.s32 v2, v18;
	v19 =	vadd.s32 $0x1, v15;
	v22 =	vld.idx.msk [tilespmem:v22+s13+$0x0], $0xffff  }
0x2c: {  	v34 =	vadd.s32 v3, v18;
	v35 =	vadd.s32 v0, v18;
	v15 =	vadd.s32 v8, v18  }
0x2d: {  	v23 =	vadd.s32 v1, v19;
	[tilespmem:v21+s14+$0x0] =	vst.idx.msk $0xffff, v20;
	vm3 =	veq.s32 v24, $0x1;
	vm4 =	veq.s32 v24, $0x0  }
0x2e: {  	vm0 =	veq.s32 v25, $0x1;
	vm1 =	veq.s32 v25, $0x2;
	[tilespmem:v26+s14+$0x0] =	vst.idx.msk $0xffff, v20;
	v21 =	vsel vm3, v11, v11  }
0x2f: {  	vm2 =	veq.s32 v25, $0x0;
	v26 =	vsel vm0, $0x3F800000, v4;
	[tilespmem:v27+s14+$0x0] =	vst.idx.msk $0xffff, v20;
	v29 =	vsel vm4, v11, v21  }
0x30: {  	vm5 =	veq.s32 v24, $0x2;
	v20 =	vadd.f32 v26, v16;
	v26 =	vld.idx.msk [tilespmem:v28+s12+$0x0], $0xffff;
	v22 =	vsub.f32 v22, v29  }
0x31: {  	v25 =	vnsel vm0, $0x0, v13;
	v27 =	vsel vm2, $0x3F800000, v4;
	v31 =	vnsel vm1, $0x0, v13  }
0x32: {  	v40 =	vnsel vm2, $0x0, v13;
	v21 =	vsel vm1, $0x3F800000, v4;
	v36 =	vld.idx.msk [tilespmem:v28+s2+$0x0], $0xffff;
	vm0 =	vge.f32 v22, $0.0e+00  }
0x33: {  	v63 =	vld.idx.msk [tilespmem:v28+s13+$0x0], $0xffff;
	v21 =	vadd.f32 v21, v16;
	v30 =	vmul.f32 v20, v12;
	v32 =	vsel vm0, v9, v10  }
0x34: {  	v28 =	vadd.f32 v27, v16;
	v27 =	vimm.f32 $0.0e+00;
	v22 =	vmul.f32 v32, v22  }
0x35: {  	v38 =	vadd.f32 v25, v30;
	v25 =	vmul.f32 v21, v12;
	vm0 =	veq.s32 v26, $0x1  }
0x36: {  	vm1 =	veq.s32 v26, $0x0;
	v24 =	vsel vm0, v11, v11;
	v22 =	vadd.f32 v22, v29  }
0x37: {  	v43 =	vmul.f32 v28, v12;
	vm2 =	veq.s32 v36, $0x1;
	v37 =	vsel vm1, v11, v24  }
0x38: {  	v39 =	vadd.f32 v31, v25;
	v29 =	vimm.f32 $0.0e+00;
	v41 =	vsub.f32 v63, v37  }
0x39: {  	v30 =	vmovc v18;
	v25 =	vmovc v11;
	v33 =	vsel vm4, v22, v11;
	v31 =	vsel vm3, v22, v11;
	vm3 =	veq.s32 v36, $0x0  }
0x3a: {  	s18 =	simm.s32 $0xC6;
	v32 =	vsel vm5, v22, v11;
	v24 =	vmovc v11;
	v42 =	vmul.f32 v33, v14;
	v44 =	vsel vm3, $0x3F800000, v4;
	v22 =	vmovc v11  }
.LBB2_3:
0x3b: {  	p0 =	sne.s32 s18, $0x1;
	s18 =	sadd.s32 $0xFFFFFFFF, s18;
	v40 =	vadd.f32 v40, v43;
	vm4 =	veq.s32 v36, $0x2;
	v36 =	vnsel vm3, $0x0, v13  }
0x3c: {  	v43 =	vmul.f32 v31, v14;
	v16 =	vadd.f32 v44, v16;
	v44 =	vsel vm4, $0x3F800000, v4  }
0x3d: {  	v45 =	vsel vm2, $0x3F800000, v4;
	v40 =	vadd.f32 v40, v42;
	v42 =	vmul.f32 v32, v14  }
0x3e: {  	vm3 =	vge.f32 v41, $0.0e+00;
	v38 =	vadd.f32 v38, v43;
	v43 =	vmul.f32 v16, v12  }
0x3f: {  	[tilespmem:v35+s14+$0x0] =	vst.idx.msk $0xffff, v40;
	v35 =	vadd.f32 v39, v42;
	v39 =	vnsel vm4, $0x0, v13;
	v40 =	vsel vm3, v9, v10  }
0x40: {  	v36 =	vadd.f32 v36, v43;
	[tilespmem:v17+s14+$0x0] =	vst.idx.msk $0xffff, v38;
	v38 =	vnsel vm2, $0x0, v13;
	v40 =	vmul.f32 v40, v41  }
0x41: {  	v18 =	vadd.s32 $0x3, v18;
	v29 =	vadd.f32 v45, v29;
	v27 =	vadd.f32 v44, v27;
	[tilespmem:v34+s14+$0x0] =	vst.idx.msk $0xffff, v35  }
0x42: {  	v17 =	vadd.s32 v2, v18;
	v35 =	vadd.s32 v7, v30;
	v34 =	vld.idx.msk [tilespmem:v23+s13+$0x0], $0xffff;
	v37 =	vadd.f32 v40, v37  }
0x43: {  	v42 =	vmul.f32 v29, v12;
	v43 =	vmul.f32 v27, v12;
	v40 =	vadd.s32 v6, v30;
	v41 =	vld.idx.msk [tilespmem:v23+s12+$0x0], $0xffff  }
0x44: {  	vm2 =	veq.s32 v26, $0x2;
	v30 =	vmovc v18;
	v44 =	vld.idx.msk [tilespmem:v23+s2+$0x0], $0xffff;
	v25 =	vsel vm1, v37, v25;
	v24 =	vsel vm0, v37, v24  }
0x45: {  	v26 =	vadd.f32 v38, v42;
	v22 =	vsel vm2, v37, v22;
	v23 =	vmul.f32 v25, v14  }
0x46: {  	v39 =	vadd.f32 v39, v43;
	v37 =	vmul.f32 v24, v14;
	v38 =	vmul.f32 v22, v14  }
0x47: {  	v42 =	vadd.s32 v5, v19;
	v19 =	vadd.s32 $0x1, v19;
	v36 =	vadd.f32 v36, v23  }
0x48: {  	v43 =	vadd.s32 v8, v18;
	v26 =	vadd.f32 v26, v37;
	v37 =	vadd.f32 v39, v38  }
0x49: {  	v23 =	vadd.s32 v1, v19;
	vm3 =	veq.s32 v41, $0x0;
	vm4 =	veq.s32 v41, $0x1;
	[tilespmem:v40+s14+$0x0] =	vst.idx.msk $0xffff, v36  }
0x4a: {  	vm0 =	veq.s32 v44, $0x1;
	vm1 =	veq.s32 v44, $0x2;
	v36 =	vsel vm4, v31, v32;
	[tilespmem:v35+s14+$0x0] =	vst.idx.msk $0xffff, v26  }
0x4b: {  	vm2 =	veq.s32 v44, $0x0;
	v26 =	vsel vm0, $0x3F800000, v4;
	v39 =	vsel vm3, v33, v36;
	[tilespmem:v15+s14+$0x0] =	vst.idx.msk $0xffff, v37;
	v15 =	vmovc v43  }
0x4c: {  	v35 =	vsel vm1, $0x3F800000, v4;
	v20 =	vadd.f32 v26, v20;
	v37 =	vsub.f32 v34, v39;
	v26 =	vld.idx.msk [tilespmem:v42+s12+$0x0], $0xffff  }
0x4d: {  	v38 =	vnsel vm0, $0x0, v13;
	v43 =	vsel vm2, $0x3F800000, v4;
	v21 =	vadd.f32 v35, v21;
	v36 =	vld.idx.msk [tilespmem:v42+s2+$0x0], $0xffff  }
0x4e: {  	v45 =	vnsel vm1, $0x0, v13;
	v44 =	vmul.f32 v20, v12;
	vm0 =	vge.f32 v37, $0.0e+00;
	v42 =	vld.idx.msk [tilespmem:v42+s13+$0x0], $0xffff  }
0x4f: {  	v40 =	vnsel vm2, $0x0, v13;
	v34 =	vadd.s32 v3, v18;
	v46 =	vsel vm0, v9, v10  }
0x50: {  	v35 =	vadd.s32 v0, v18;
	v38 =	vadd.f32 v38, v44;
	v37 =	vmul.f32 v46, v37  }
0x51: {  	vm5 =	veq.s32 v41, $0x2;
	v28 =	vadd.f32 v43, v28;
	v44 =	vmul.f32 v21, v12  }
.Ltmp0:
0x52: {  	v46 =	vadd.f32 v37, v39;
	vm1 =	veq.s32 v26, $0x0;
	vm0 =	veq.s32 v26, $0x1;
	(pc) =	sbr.rel @p0 .LBB2_3-.Ltmp0, $4  }
0x53: {  	v39 =	vadd.f32 v45, v44;
	vm2 =	veq.s32 v36, $0x1;
	v37 =	vsel vm0, v24, v22  }
0x54: {  	v33 =	vsel vm3, v46, v33;
	v31 =	vsel vm4, v46, v31;
	v37 =	vsel vm1, v25, v37  }
0x55: {  	v43 =	vmul.f32 v28, v12;
	vm3 =	veq.s32 v36, $0x0;
	v41 =	vsub.f32 v42, v37  }
0x56: {  	v32 =	vsel vm5, v46, v32;
	v42 =	vmul.f32 v33, v14;
	v44 =	vsel vm3, $0x3F800000, v4  }
0x57: {  	v18 =	vadd.f32 v40, v43;
	vm4 =	veq.s32 v36, $0x2  }
0x58: {  	v19 =	vnsel vm3, $0x0, v13;
	v20 =	vmul.f32 v31, v14;
	v16 =	vadd.f32 v44, v16  }
0x59: {  	v21 =	vmul.f32 v32, v14;
	vm14 =	vge.f32 v41, $0.0e+00;
	v23 =	vsel vm2, $0x3F800000, v4  }
0x5a: {  	v56 =	vnsel vm2, $0x0, v13;
	v57 =	vadd.s32 v7, v30;
	v28 =	vsel vm14, v9, v10  }
0x5b: {  	v53 =	vsel vm4, $0x3F800000, v4;
	v54 =	vadd.f32 v23, v29;
	v28 =	vmul.f32 v28, v41  }
0x5c: {  	v18 =	vadd.f32 v18, v42;
	v16 =	vmul.f32 v16, v12;
	v20 =	vadd.f32 v38, v20  }
0x5d: {  	v58 =	vadd.s32 v6, v30;
	v27 =	vadd.f32 v53, v27;
	v28 =	vadd.f32 v28, v37  }
0x5e: {  	vm15 =	veq.s32 v26, $0x2;
	v21 =	vadd.f32 v39, v21;
	v16 =	vadd.f32 v19, v16;
	[tilespmem:v35+s14+$0x0] =	vst.idx.msk $0xffff, v18  }
0x5f: {  	v19 =	vmul.f32 v54, v12;
	v27 =	vmul.f32 v27, v12;
	v25 =	vsel vm1, v28, v25  }
0x60: {  	v55 =	vnsel vm4, $0x0, v13;
	[tilespmem:v17+s14+$0x0] =	vst.idx.msk $0xffff, v20;
	v59 =	vsel vm0, v28, v24;
	v60 =	vmul.f32 v25, v14  }
0x61: {  	v18 =	vadd.f32 v56, v19;
	v61 =	vsel vm15, v28, v22;
	v17 =	vmul.f32 v59, v14  }
0x62: {  	v62 =	vadd.f32 v55, v27;
	v19 =	vmul.f32 v61, v14;
	v16 =	vadd.f32 v16, v60  }
0x63: {  	[tilespmem:v34+s14+$0x0] =	vst.idx.msk $0xffff, v21;
	v17 =	vadd.f32 v18, v17  }
0x64: {  	s17 =	smul.u32 $0x4B, s17;
	s16 =	sadd.s32 $0x1, s16;
	v63 =	vadd.f32 v62, v19;
	[tilespmem:v58+s14+$0x0] =	vst.idx.msk $0xffff, v16  }
0x65: {  	p0 =	sne.s32 s16, $0x10;
	[tilespmem:v57+s14+$0x0] =	vst.idx.msk $0xffff, v17  }
.Ltmp1:
0x66: {  	s17 =	sadd.s32 s1, s17;
	[tilespmem:v15+s14+$0x0] =	vst.idx.msk $0xffff, v63;
	(pc) =	sbr.rel @p0 .LBB2_2-.Ltmp1, $4  }
0x67: {  	[hbm4b:s17+s2] =	stream.linear.scatter [tilespmem:s14], [sflag:$0x1], $0x4B00, $0x38;
	[tilespmem:$0x9A00] =	vst v63  }
0x68: {  	_ =	swait.ge [sflag:s11], $0x4B00  }
0x69: {  	[sflag:s11] =	ssyncset.done $0x0  }
0x6a: {  	[sflag:s11] =	ssyncadd.s32 $0xFFFFB500  }
0x6b: {  	s15 =	sadd.s32 $0x1, s15  }
0x6c: {  	p0 =	sne.s32 s15, s9  }
.Ltmp2:
0x6d: {  	_ = 	snop;
	(pc) =	sbr.rel @p0 .LBB2_1-.Ltmp2, $1  }
0x6e: {  	_ =	sdelay $0x3  }
0x6f: {  	_ =	sfence.sel $0x180000  }
0x70: {  	[bflag:$0x0] =	sbarrier.arrive $0xFFFF  }
0x71: {  	p0 =	sne.s32 s4, $0x0;
	_ =	strace $0x90000047  }
0x72: {  	s0 =	sadd.s32 @!p0 $0x100000, s0;
	[bflag:$0x2] =	sbarrier.arrive $0xFFFF  }
0x73: {  	[sflag:s0] =	ssyncadd.tile.s32 @!p0 $0x1;
	_ =	shalt  }
.Lfunc_end2:
_tile_overlayer_lowered:
.L_overlay_start_2:
0x74: {  	(tag) =	ssettag $0x2  }
0x75: {  	s0 =	rddreg [dreg:$0x0];
	s2 =	stileid.u32  }
0x76: {  	s1 =	rddreg [dreg:$0x1];
	p0 =	sne.s32 s2, $0x0  }
0x77: {  	s3 =	rddreg [dreg:$0x2];
	[bflag:$0x3] =	sbarrier.arrive $0xFFFF;
	s2 =	simm.s32 @!p0 $0x1C01  }
0x78: {  	[timem:s3], [sflag:s2] =	dma.local @!p0 [hbm:s0], s1  }
0x79: {  	s0 =	simm.s32 @!p0 $0x1  }
0x7a: {  	_ =	swait.ge @!p0 [sflag:s0], s1  }
0x7b: {  	s1 =	ssub.s32 @!p0 $0x0, s1;
	[sflag:s0] =	ssyncset.done @!p0 $0x0  }
0x7c: {  	[sflag:s0] =	ssyncadd.s32 @!p0 s1  }
0x7d: {  	[bflag:$0x3] =	sbarrier.arrive $0xFFFF  }
0x7e: {  	_ =	shalt  }

// kernel: sparse-core-data-format-call.cloned.1.call-start
scs
called_computation_lowered:
.L_overlay_start_0:
0x0: {  	s2 =	sld [smem:$0x3FD9]  }
0x1: {  	s3 =	sld [smem:$0x3FFE];
	_ =	sdelay $0x1  }
0x2: {  	s1 =	srdreg.scid  }
0x3: {  	s0 =	sand.u32 $0x1, s1  }
0x4: {  	s18 =	sshll.u32 s0, $0xA;
	s2 =	sadd.s32 s3, s2  }
0x5: {  	s2 =	sadd.s32 s2, s18  }
0x6: {  	[smem:$0x3FBF] =	sst s2  }
0x7: {  	_ = 	snop  }
0x8: {  	s2 =	sld [smem:$0x3FD0];
	(tm) =	ssettm $0x1  }
0x9: {  	s19 =	sld [smem:$0x3FFB];
	_ =	sdelay $0x3  }
0xa: {  	_ =	strace s19  }
0xb: {  	s3 =	sld [smem:$0x3FFC];
	_ =	sdelay $0x3  }
0xc: {  	_ =	strace s3  }
0xd: {  	s3 =	sld [smem:$0x3FFD];
	_ =	sdelay $0x3  }
0xe: {  	_ =	strace s3  }
0xf: {  	_ =	strace $0x8FFFFFFF  }
0x10: {  	s20 =	sld [smem:$0x3FDB];
	_ =	sdelay $0x1  }
0x11: {  	s4 =	simm.s32 $_scs_section_size  }
0x12: {  	s5 =	simm.s32 $_size__tile_overlayer_lowered;
	s6 =	simm.s32 $_tile_overlayer_lowered  }
0x13: {  	s23 =	simm.s32 $0x1BFF;
	s22 =	sshll.u32 s6, $0x1;
	s3 =	sadd.s32 s4, s20  }
0x14: {  	s7 =	simm.s32 $0x0;
	s21 =	sshll.u32 s5, $0x1;
	s5 =	sadd.s32 s22, s3  }
0x15: {  	[timem:s7], [sflag:s23] =	dma.local [hbm:s5], s21  }
0x16: {  	_ =	swait.ge [sflag:s23], s21  }
0x17: {  	s4 =	ssub.s32 $0x0, s21;
	[sflag:s23] =	ssyncset.done $0x0  }
0x18: {  	[sflag:s23] =	ssyncadd.s32 s4;
	_ =	sdelay $0x1  }
0x19: {  	s24 =	simm.s32 $0x1B8B  }
0x1a: {  	_ =	swait.ge [sflag:s24], $0x1  }
0x1b: {  	[sflag:s24] =	ssyncset.done $0x0  }
0x1c: {  	s26 =	simm.s32 $0x1B8E;
	s25 =	sld [smem:$0x3FFE];
	[sflag:s24] =	ssyncadd.s32 $0xFFFFFFFF  }
0x1d: {  	s27 =	simm.s32 $execute0_lowered;
	[smem:$0x3FD2] =	sst s26  }
0x1e: {  	s5 =	sshll.u32 s27, $0x1;
	_ =	strace $0x80000049;
	[dreg:$0x1] =	wrdreg $0xFFFFFFFF  }
0x1f: {  	s28 =	simm.s32 $_size_execute0_lowered;
	s3 =	sadd.s32 s3, s5;
	[dreg:$0x0] =	wrdreg $0x0  }
0x20: {  	s5 =	sshll.u32 s28, $0x1;
	[dreg:$0x2] =	wrdreg s3  }
0x21: {  	[dreg:$0x3] =	wrdreg s5  }
0x22: {  	[dreg:$0x4] =	wrdreg $0xC0  }
0x23: {  	_ =	task [dreg:s7], $0x5FFFF  }
0x24: {  	[dreg:$0x1] =	wrdreg $0xFFFFFFFF  }
0x25: {  	[dreg:$0x0] =	wrdreg $0x60  }
0x26: {  	[dreg:$0x2] =	wrdreg s25  }
0x27: {  	[dreg:$0x3] =	wrdreg s2  }
0x28: {  	[dreg:$0x4] =	wrdreg $0x9  }
0x29: {  	_ =	task.clear_ibuf [dreg:s7], $0x5FFFF;
	_ =	strace $0x90000049  }
0x2a: {  	s29 =	simm.s32 $0x9;
	_ =	strace $0x8000004B  }
0x2b: {  	_ =	swait.ge [sflag:s29], $0x1  }
0x2c: {  	[sflag:s29] =	ssyncadd.s32 $0xFFFFFFFF  }
0x2d: {  	_ =	strace $0x9000004B  }
0x2e: {  	_ =	sfence  }
0x2f: {  	s30 =	sld [smem:$0x0];
	_ =	sdelay $0x2  }
0x30: {  	s31 =	sshll.u32 s1, $0xD;
	s1 =	sshrl.u32 s1, $0x2  }
0x31: {  	s3 =	sand.u32 $0x4000, s31;
	s1 =	sadd.s32 s1, s30  }
0x32: {  	s0 =	sor.u32 s3, s0;
	s1 =	sshll.u32 s1, $0x11  }
0x33: {  	s0 =	sor.u32 s1, s0  }
0x34: {  	s0 =	sadd.s32 $0x8F2B, s0  }
0x35: {  	[sflag:s0] =	ssyncadd.remote.s32 $0x1  }
0x36: {  	_ =	sfence.sel $0xFFFF  }
0x37: {  	[dreg:$0x0] =	wrdreg $0xFFFFFFFF;
	(pc) =	sbr.abs _section_cstart, $3  }
0x38: {  	[dreg:$0x1] =	wrdreg $0xFFFFFFFF  }
0x39: {  	_ =	task.clear_ibuf [dreg:s7], $0x2FFFF;
	_ =	strace $0x9FFFFFFF  }
0x3a: {  	(tm) =	ssettm $0x7FFFFFFF  }
0x3b: {  	_ =	shalt  }
tec
execute0_lowered:
.L_overlay_start_1:
0x0: {  	(tag) =	ssettag $0x1  }
0x1: {  	s0 =	srdreg.scid  }
0x2: {  	s1 =	sshll.u32 s0, $0x4  }
0x3: {  	s6 =	rddreg [dreg:$0x0];
	s0 =	stileid.u32;
	s1 =	sand.u32 $0x10, s1  }
0x4: {  	s3 =	rddreg [dreg:$0x1];
	s1 =	sor.u32 s0, s1  }
0x5: {  	s5 =	simm.s32 $0x1;
	s31 =	simm.s32 $0x2;
	s2 =	sshll.u32 s1, $0x7  }
0x6: {  	s15 =	simm.s32 $0x0;
	s8 =	simm.s32 $0x320000;
	s4 =	ssub.s32 $0x4000, s2  }
0x7: {  	s14 =	simm.s32 $0x0;
	s9 =	simm.s32 $0x0;
	s30 =	sand.u32 $0xF80, s4  }
0x8: {  	s10 =	simm.s32 $0x0;
	s11 =	simm.s32 $0x0;
	p0 =	sne.s32 s30, $0x0  }
.Ltmp0:
0x9: {  	s7 =	sshrl.u32 s4, $0xC;
	s5 =	simm.s32 @!p0 $0x0;
	(pc) =	sbr.rel .LBB1_1-.Ltmp0, $4  }
0xa: {  	s13 =	simm.s32 $0x0;
	s1 =	rddreg [dreg:$0x2];
	s5 =	sadd.s32 s5, s7  }
0xb: {  	_ =	strace $0x8000004A;
	s4 =	simm.s32 $0x1;
	s5 =	smul.u32 $0xC8, s5  }
0xc: {  	s6 =	sadd.s32 $0x1800, s6;
	s12 =	smov.u32 s2;
	[sflag:s4] =	ssyncpa.u1 $0x0  }
0xd: {  	[sflag:s31] =	ssyncpa.u1 $0x0;
	p0 =	por $0x0, $0x0;
	s7 =	sor.u32 $0x1, s5  }
.LBB1_4:
0xe: {  	s18 =	sshll.u32 s9, $0xE;
	s19 =	sand.u32 $0x78, s10;
	s20 =	sshll.u32 s10, $0x3  }
0xf: {  	s22 =	sshll.u32 s9, $0x7;
	p1 =	sgt.s32 s9, $0xC7;
	s25 =	sshra.s32 s9, $0x1F  }
0x10: {  	s23 =	smov.u32 s10;
	s24 =	sshra.s32 s10, $0x1F;
	s29 =	sand.u32 $0x7, s10  }
0x11: {  	s18 =	sand.u32 $0xFFFE0000, s18;
	s21 =	sand.u32 $0xFFFFFC00, s20;
	s20 =	sand.u32 $0x3C00, s20  }
0x12: {  	s30 =	sand.u32 $0x380, s22;
	s22 =	sand.u32 s25, s9;
	s18 =	sadd.s32 s21, s18  }
0x13: {  	s19 =	sor.u32 s19, s20;
	s20 =	smov.u32 s9;
	s18 =	sshrl.u32 s18, $0xE  }
0x14: {  	s20 =	simm.s32 @!p1 $0xC7;
	p1 =	sgt.s32 s10, $0x3F80;
	s31 =	smulhi.u32 $0x147AE15, s18  }
0x15: {  	s26 =	sand.u32 s24, s10;
	s20 =	ssub.s32 s20, s22;
	s23 =	simm.s32 @!p1 $0x3F80  }
0x16: {  	s27 =	ssub.s32 $0xC8, s20;
	s22 =	ssub.s32 s23, s26;
	s21 =	smul.u32 $0xC8, s31  }
0x17: {  	s20 =	sadd.s32 $0xFFFFFF39, s20;
	s23 =	smul.u32 $0x3, s27;
	s28 =	sadd.s32 $0xFFFFC080, s22  }
0x18: {  	p1 =	sgt.s32 s20, $0x0;
	s20 =	ssub.s32 $0x4000, s22;
	p2 =	sgt.s32 s28, $0x7F  }
0x19: {  	s19 =	sor.u32 s30, s19;
	s23 =	simm.s32 @p1 $0x0;
	s20 =	simm.s32 @p2 $0x0  }
0x1a: {  	s19 =	sshrl.u32 s19, $0x3;
	s18 =	ssub.s32 s18, s21;
	s20 =	smul.u32 s20, s23  }
0x1b: {  	s19 =	sadd.s32 s3, s19;
	s21 =	sshll.u32 s29, $0x12;
	s18 =	sshll.u32 s18, $0xB  }
0x1c: {  	[tilespmem:s17+$0x0 ss:$0x81] =	vst.msk $0xffff, v0;
	s31 =	sor.u32 $0x80, s21;
	s18 =	sadd.s32 s18, s19;
	s30 =	sand.u32 $0x3FFFFFFF, s20  }
0x1d: {  	[hbm4b:s18+s31] =	stream.strided.scatter [tilespmem:s16], [sflag:$0x2], s30, s8, s31, $0x20;
	[tilespmem:$0x4040] =	vst v63  }
.LBB1_5:
0x1e: {  	p1 =	slt.u32 s13, $0x2  }
0x1f: {  	s17 =	smov.u32 s15;
	p2 =	sgt.s32 @!p1 s15, $0xC7;
	s16 =	sshra.s32 @!p1 s15, $0x1F  }
0x20: {  	p3 =	sgt.s32 @!p1 s14, $0x3F80;
	s18 =	sshra.s32 @!p1 s14, $0x1F;
	p2 =	por !p2, p1  }
0x21: {  	s15 =	sand.u32 @!p1 s16, s15;
	p3 =	por !p3, p1;
	s16 =	smov.u32 s14  }
0x22: {  	s14 =	sand.u32 @!p1 s18, s14;
	s17 =	simm.s32 @p2 $0xC7;
	s16 =	simm.s32 @p3 $0x3F80  }
0x23: {  	s18 =	smov.u32 s12;
	s15 =	ssub.s32 @!p1 s17, s15;
	s14 =	ssub.s32 @!p1 s16, s14  }
0x24: {  	s16 =	sadd.s32 @!p1 $0xFFFFFF39, s15;
	s15 =	ssub.s32 @!p1 $0xC8, s15;
	s17 =	sadd.s32 @!p1 $0xFFFFC080, s14  }
0x25: {  	p2 =	sgt.s32 @!p1 s16, $0x0;
	s15 =	smul.u32 @!p1 $0x3, s15;
	p3 =	sgt.s32 @!p1 s17, $0x7F  }
0x26: {  	s14 =	ssub.s32 @!p1 $0x4000, s14;
	p2 =	por !p2, p1;
	p3 =	por !p3, p1  }
0x27: {  	s16 =	sadd.s32 $0x1, s11;
	s15 =	simm.s32 @!p2 $0x0;
	s14 =	simm.s32 @!p3 $0x0  }
0x28: {  	p2 =	sgt.s32 s16, $0xC7;
	s14 =	smul.u32 @!p1 s14, s15;
	s15 =	sadd.s32 $0x1000, s12  }
0x29: {  	s18 =	smov.u32 @p2 s15  }
0x2a: {  	s16 =	simm.s32 @p2 $0x0;
	p2 =	sgt.s32 s18, $0x3FFF  }
0x2b: {  	s18 =	smov.u32 @p2 s2;
	p2 =	sne.s32 s13, s7  }
.Ltmp1:
0x2c: {  	p0 =	por !p0, !p0;
	s17 =	simm.s32 @!p1 $0x2;
	(pc) =	sbr.rel @!p2 .LBB1_6-.Ltmp1, $4  }
0x2d: {  	s15 =	smov.u32 s9;
	s9 =	smov.u32 s11;
	s14 =	sand.u32 @!p1 $0x3FFFFFFF, s14  }
0x2e: {  	s11 =	smov.u32 s16;
	_ =	swait.ge @!p1 [sflag:s17], s14;
	s19 =	ssub.s32 @!p1 $0x0, s14  }
0x2f: {  	s14 =	smov.u32 s10;
	s13 =	sadd.s32 $0x1, s13;
	[sflag:s17] =	ssyncset.done @!p1 $0x0  }
0x30: {  	s10 =	smov.u32 s12;
	s12 =	smov.u32 s18;
	[sflag:s17] =	ssyncadd.s32 @!p1 s19  }
.LBB1_1:
0x31: {  	p1 =	sge.u32 s13, s5  }
0x32: {  	s16 =	sand.u32 @!p1 $0x1FFFFFF, s11  }
0x33: {  	s17 =	smulhi.u32 @!p1 $0x147AE15, s16;
	_ =	sdelay $0x1  }
0x34: {  	s17 =	smul.u32 @!p1 $0xC8, s17  }
0x35: {  	s18 =	sxor.u32 @!p1 $0xFFFFFFFF, s13;
	s19 =	smul.u32 @!p1 $0xC80, s12  }
0x36: {  	s31 =	sadd.s32 $0xFFFFFFFF, s13;
	s18 =	sshll.u32 @!p1 s18, $0xC;
	s16 =	ssub.s32 @!p1 s16, s17  }
0x37: {  	s17 =	sand.u32 @!p1 $0x1000, s18;
	s18 =	sadd.s32 @!p1 s6, s19;
	s16 =	sshll.u32 @!p1 s16, $0x4  }
0x38: {  	s19 =	simm.s32 @!p1 $0x6400;
	s16 =	sadd.s32 @!p1 s16, s18;
	s18 =	simm.s32 @!p1 $0x20  }
0x39: {  	[tilespmem:s17], [sflag:$0x1] =	stream.strided.gather @!p1 [hbm4b:s16+s18], $0x1000, s19, s18, $0x38;
	[tilespmem:$0x4040] =	vst v63  }
0x3a: {  	p1 =	sge.u32 s31, s5  }
.Ltmp2:
0x3b: {  	_ = 	snop;
	(pc) =	sbr.rel @p1 .LBB1_5-.Ltmp2, $1  }
0x3c: {  	_ =	sdelay $0x3  }
0x3d: {  	s16 =	simm.s32 $0x1  }
0x3e: {  	_ =	swait.ge [sflag:s4], $0x1000;
	s16 =	simm.s32 @!p0 $0x0  }
0x3f: {  	[sflag:s4] =	ssyncset.done $0x0;
	s17 =	sshll.u32 s16, $0xC  }
0x40: {  	[sflag:s4] =	ssyncadd.s32 $0xFFFFF000;
	s20 =	sor.u32 $0x10, s17  }
0x41: {  	s16 =	smul.u32 $0x4080, s16;
	v1 =	vld [tilespmem:s20+$0x0]  }
0x42: {  	s30 =	sand.u32 $0x1, s13;
	v0 =	vld [tilespmem:s20+$0xFFFFFFF0]  }
0x43: {  	s17 =	smul.u32 $0x4080, s30;
	s16 =	sshrl.u32 s16, $0x2  }
0x44: {  	s18 =	sor.u32 $0x2000, s16  }
0x45: {  	s31 =	sshrl.u32 s17, $0x2;
	s17 =	sadd.s32 $0x0, s18  }
0x46: {  	s19 =	simm.s32 $0x4;
	s20 =	sadd.s32 $0x20, s20;
	s16 =	sor.u32 $0x2000, s31;
	[tilespmem:s17+$0x810 ss:$0x81] =	vst.msk $0xffff, v1  }
.LBB1_3:
0x47: {  	v1 =	vld [tilespmem:s20+$0x0];
	p1 =	sne.s32 s19, $0x1FC;
	[tilespmem:s17+$0x0 ss:$0x81] =	vst.msk $0xffff, v0;
	s17 =	smov.u32 s19;
	s19 =	sadd.s32 $0x4, s19  }
.Ltmp3:
0x48: {  	v0 =	vld [tilespmem:s20+$0xFFFFFFF0];
	(pc) =	sbr.rel @p1 .LBB1_3-.Ltmp3, $4  }
0x49: {  	_ = 	snop  }
0x4a: {  	s17 =	sshra.s32 s17, $0x2  }
0x4b: {  	s17 =	sadd.s32 s17, s18  }
0x4c: {  	s20 =	sadd.s32 $0x20, s20;
	[tilespmem:s17+$0x810 ss:$0x81] =	vst.msk $0xffff, v1  }
.Ltmp4:
0x4d: {  	_ = 	snop;
	(pc) =	sbr.rel .LBB1_4-.Ltmp4, $1  }
0x4e: {  	_ =	sdelay $0x3  }
.LBB1_6:
0x4f: {  	_ =	sfence.sel $0x180000  }
0x50: {  	s2 =	simm.s32 $0x1;
	[bflag:$0x0] =	sbarrier.arrive $0xFFFF  }
0x51: {  	s31 =	simm.s32 $0x2;
	[sflag:s2] =	ssyncpa.u1 $0x1  }
0x52: {  	[sflag:s31] =	ssyncpa.u1 $0x1  }
0x53: {  	p0 =	sne.s32 s0, $0x0;
	_ =	strace $0x9000004A  }
0x54: {  	s0 =	sadd.s32 @!p0 $0x100000, s1;
	[bflag:$0x2] =	sbarrier.arrive $0xFFFF  }
0x55: {  	[sflag:s0] =	ssyncadd.tile.s32 @!p0 $0x1;
	_ =	shalt  }
.Lfunc_end1:
_tile_overlayer_lowered:
.L_overlay_start_2:
0x56: {  	(tag) =	ssettag $0x2  }
0x57: {  	s0 =	rddreg [dreg:$0x0];
	s2 =	stileid.u32  }
0x58: {  	s1 =	rddreg [dreg:$0x1];
	p0 =	sne.s32 s2, $0x0  }
0x59: {  	s3 =	rddreg [dreg:$0x2];
	[bflag:$0x3] =	sbarrier.arrive $0xFFFF;
	s2 =	simm.s32 @!p0 $0x1C01  }
0x5a: {  	[timem:s3], [sflag:s2] =	dma.local @!p0 [hbm:s0], s1  }
0x5b: {  	s0 =	simm.s32 @!p0 $0x1  }
0x5c: {  	_ =	swait.ge @!p0 [sflag:s0], s1  }
0x5d: {  	s1 =	ssub.s32 @!p0 $0x0, s1;
	[sflag:s0] =	ssyncset.done @!p0 $0x0  }
0x5e: {  	[sflag:s0] =	ssyncadd.s32 @!p0 s1  }
0x5f: {  	[bflag:$0x3] =	sbarrier.arrive $0xFFFF  }
0x60: {  	_ =	shalt  }

</sc_bundles>
